<compile_context>
chip_gen: v7x
topology: tpu7x:2x2x1
jax: 0.10.2.dev20260603
libtpu: 0.0.44.dev20260713+nightly
codegen_flags: <defaults>
</compile_context>

<pallas_src>
import jax
import jax.numpy as jnp
from jax import lax
from jax.experimental import pallas as pl
from jax.experimental.pallas import tpu as pltpu
from jax.experimental.pallas import tpu_sc as plsc

VOCAB = 1000
NC, NS = 2, 16
NW = NC * NS


def _sc_body(x_hbm, z_hbm, out_hbm, idx_v, buf0, buf1, sem0, sem1):
    n_batch = out_hbm.shape[0]
    nf = out_hbm.shape[1]
    bpw = n_batch // NW
    wid = lax.axis_index("s") * NC + lax.axis_index("c")
    base_b = wid * bpw

    pltpu.sync_copy(x_hbm.at[pl.ds(base_b * nf, bpw * nf)],
                    idx_v.at[pl.ds(0, bpw * nf)])
    pltpu.async_copy(z_hbm, buf0, sem0).wait()
    pltpu.async_copy(z_hbm, buf1, sem1).wait()

    lane = lax.iota(jnp.int32, 16)
    zero16 = jnp.zeros((16,), jnp.int32)
    ones = jnp.full((16,), 1.0, jnp.float32)
    zf = jnp.zeros((16,), jnp.float32)
    mask_hi = lane < (nf - 16)

    def scatter(buf, c, val):
        col_lo = plsc.load_gather(idx_v, [lane + c * nf])
        col_hi = plsc.load_gather(idx_v, [lane + (c * nf + 16)])
        plsc.store_scatter(buf, [zero16, lane, col_lo], val)
        plsc.store_scatter(buf, [zero16, lane + 16, col_hi], val,
                           mask=mask_hi)

    def dma(buf, sem, c):
        return pltpu.make_async_copy(
            buf, out_hbm.at[pl.ds(base_b + c, 1)], sem)

    scatter(buf0, 0, ones)
    dma(buf0, sem0, 0).start()
    scatter(buf1, 1, ones)
    dma(buf1, sem1, 1).start()

    def pair(p, carry):
        for b, (buf, sem) in enumerate(((buf0, sem0), (buf1, sem1))):
            c_prev = 2 * p - 2 + b
            c_new = 2 * p + b
            dma(buf, sem, c_prev).wait()
            scatter(buf, c_prev, zf)
            scatter(buf, c_new, ones)
            dma(buf, sem, c_new).start()
        return carry

    lax.fori_loop(1, bpw // 2, pair, 0)
    dma(buf0, sem0, bpw - 2).wait()
    dma(buf1, sem1, bpw - 1).wait()


def kernel(x):
    b, f = x.shape
    n = b * f
    call = pl.kernel(
        _sc_body,
        out_type=jax.ShapeDtypeStruct((b, f, VOCAB), jnp.float32),
        mesh=plsc.VectorSubcoreMesh(
            core_axis_name="c", subcore_axis_name="s",
            num_cores=NC, num_subcores=NS),
        scratch_types=[
            pltpu.VMEM((n // NW + 16,), jnp.int32),
            pltpu.VMEM((1, f, VOCAB), jnp.float32),
            pltpu.VMEM((1, f, VOCAB), jnp.float32),
            pltpu.SemaphoreType.DMA,
            pltpu.SemaphoreType.DMA,
        ],
        compiler_params=pltpu.CompilerParams(
            needs_layout_passes=False, use_tc_tiling_on_sc=True),
    )
    return call(x.reshape(n), jnp.zeros((1, f, VOCAB), jnp.float32))

# --- scband reference (transcript-rebuilt; emitter-appended) ---
"""Pipeline reference for scband-one-hot-embedding-43241730737055 (READ-ONLY COPY).

The authoritative reference and input builder live on the scoring server;
editing this copy changes nothing except your own understanding.
"""

import jax, jax.numpy as jnp
import numpy as np

VOCAB_SIZE = 1000
BATCH = 4096
N_FIELDS = 26


def setup_inputs(seed: int = 0) -> dict:
    key = jax.random.key(seed)
    x = jax.random.randint(key, (BATCH, N_FIELDS), 0, VOCAB_SIZE, dtype=jnp.int64 if jax.config.jax_enable_x64 else jnp.int32)
    return {"x": x}


def reference(x):
    # Faithful translation of OneHotEmbedding.__call__:
    #   return jax.nn.one_hot(x, self.vocab_size)
    return jax.nn.one_hot(x, VOCAB_SIZE)

if __name__ == "__main__":
    import jax
    _d = setup_inputs()
    print(jax.jit(kernel)(*tuple(_d.values())))

</pallas_src>

<mosaic_0001>
#map = affine_map<(d0, d1) -> (0)>
#map1 = affine_map<(d0, d1) -> (0, 0, 0)>
module attributes {stable_mosaic.version = 14 : i64} {
  func.func @_sc_body(%arg0: i32, %arg1: i32, %arg2: memref<106496xi32, #tpu.memory_space<hbm>>, %arg3: memref<1x26x1000xf32, #tpu.memory_space<hbm>>, %arg4: memref<4096x26x1000xf32, #tpu.memory_space<hbm>>, %arg5: memref<3344xi32, #tpu.memory_space<vmem>>, %arg6: memref<1x26x1000xf32, #tpu.memory_space<vmem>>, %arg7: memref<1x26x1000xf32, #tpu.memory_space<vmem>>, %arg8: memref<!tpu.dma_semaphore, #tpu.memory_space<semaphore_mem>>, %arg9: memref<!tpu.dma_semaphore, #tpu.memory_space<semaphore_mem>>) attributes {dimension_semantics = [#tpu.dimension_semantics<core_parallel>, #tpu.dimension_semantics<subcore_parallel>], iteration_bounds = array<i64: 2, 16>, scalar_prefetch = 0 : i64, scratch_operands = 5 : i64, tpu.core_type = #tpu.core_type<sc_vector_subcore>, window_params = [{transform_indices = #map}, {transform_indices = #map1}, {transform_indices = #map1}]} {
    %mul3A = arith.constant 2 : i32
    %mul3A_0 = arith.muli %arg1, %mul3A : i32
    %add3A = arith.addi %mul3A_0, %arg0 : i32
    %mul3A_1 = arith.constant 128 : i32
    %mul3A_2 = arith.muli %add3A, %mul3A_1 : i32
    %mul3A_3 = arith.constant 26 : i32
    %mul3A_4 = arith.muli %mul3A_2, %mul3A_3 : i32
    "tpu.region"() ({
      %run_scoped3A = tpu.sem_alloc : memref<!tpu.dma_semaphore, #tpu.memory_space<semaphore_mem>>
      %dma_start3A_68 = arith.constant 0 : i32
      %dma_start3A_69 = tpu.memref_slice %arg5[%dma_start3A_68] : memref<3344xi32, #tpu.memory_space<vmem>> -> memref<3328xi32, #tpu.memory_space<vmem>>
      %dma_start3A_70 = tpu.memref_slice %arg2[%mul3A_4] : memref<106496xi32, #tpu.memory_space<hbm>> -> memref<3328xi32, #tpu.memory_space<hbm>>
      %dma_start3A_71 = arith.constant 0 : i32
      %dma_start3A_72 = tpu.memref_slice %arg5[%dma_start3A_71] : memref<3344xi32, #tpu.memory_space<vmem>> -> memref<3328xi32, #tpu.memory_space<vmem>>
      %dma_start3A_73 = tpu.memref_slice %arg2[%mul3A_4] : memref<106496xi32, #tpu.memory_space<hbm>> -> memref<3328xi32, #tpu.memory_space<hbm>>
      tpu.enqueue_dma source(%dma_start3A_73 : memref<3328xi32, #tpu.memory_space<hbm>>) target(%dma_start3A_72 : memref<3328xi32, #tpu.memory_space<vmem>>) target_semaphore(%run_scoped3A : memref<!tpu.dma_semaphore, #tpu.memory_space<semaphore_mem>>)
      %dma_wait3A_74 = arith.constant 0 : i32
      %dma_wait3A_75 = tpu.memref_slice %arg5[%dma_wait3A_74] : memref<3344xi32, #tpu.memory_space<vmem>> -> memref<3328xi32, #tpu.memory_space<vmem>>
      %dma_wait3A_76 = tpu.memref_slice %arg2[%mul3A_4] : memref<106496xi32, #tpu.memory_space<hbm>> -> memref<3328xi32, #tpu.memory_space<hbm>>
      %dma_wait3A_77 = arith.constant 0 : i32
      %dma_wait3A_78 = tpu.memref_slice %arg5[%dma_wait3A_77] : memref<3344xi32, #tpu.memory_space<vmem>> -> memref<3328xi32, #tpu.memory_space<vmem>>
      %dma_wait3A_79 = tpu.memref_slice %arg2[%mul3A_4] : memref<106496xi32, #tpu.memory_space<hbm>> -> memref<3328xi32, #tpu.memory_space<hbm>>
      tpu.wait_dma2 semaphore(%run_scoped3A : memref<!tpu.dma_semaphore, #tpu.memory_space<semaphore_mem>>) src(%dma_wait3A_79 : memref<3328xi32, #tpu.memory_space<hbm>>) dst(%dma_wait3A_78 : memref<3328xi32, #tpu.memory_space<vmem>>)
      tpu.yield
    }) : () -> ()
    tpu.enqueue_dma source(%arg3 : memref<1x26x1000xf32, #tpu.memory_space<hbm>>) target(%arg6 : memref<1x26x1000xf32, #tpu.memory_space<vmem>>) target_semaphore(%arg8 : memref<!tpu.dma_semaphore, #tpu.memory_space<semaphore_mem>>)
    tpu.wait_dma2 semaphore(%arg8 : memref<!tpu.dma_semaphore, #tpu.memory_space<semaphore_mem>>) src(%arg3 : memref<1x26x1000xf32, #tpu.memory_space<hbm>>) dst(%arg6 : memref<1x26x1000xf32, #tpu.memory_space<vmem>>)
    tpu.enqueue_dma source(%arg3 : memref<1x26x1000xf32, #tpu.memory_space<hbm>>) target(%arg7 : memref<1x26x1000xf32, #tpu.memory_space<vmem>>) target_semaphore(%arg9 : memref<!tpu.dma_semaphore, #tpu.memory_space<semaphore_mem>>)
    tpu.wait_dma2 semaphore(%arg9 : memref<!tpu.dma_semaphore, #tpu.memory_space<semaphore_mem>>) src(%arg3 : memref<1x26x1000xf32, #tpu.memory_space<hbm>>) dst(%arg7 : memref<1x26x1000xf32, #tpu.memory_space<vmem>>)
    %iota3A = tpu.iota {dimensions = array<i32: 0>} : vector<16xi32>
    %broadcast_in_dim3A = arith.constant 0 : i32
    %broadcast_in_dim3A_5 = vector.broadcast %broadcast_in_dim3A : i32 to vector<16xi32>
    %broadcast_in_dim3A_6 = arith.constant 1.000000e+00 : f32
    %broadcast_in_dim3A_7 = vector.broadcast %broadcast_in_dim3A_6 : f32 to vector<16xf32>
    %broadcast_in_dim3A_8 = arith.constant 0.000000e+00 : f32
    %broadcast_in_dim3A_9 = vector.broadcast %broadcast_in_dim3A_8 : f32 to vector<16xf32>
    %lt3A = arith.constant 10 : i32
    %lt3A_10 = vector.broadcast %lt3A : i32 to vector<16xi32>
    %lt3A_11 = arith.cmpi slt, %iota3A, %lt3A_10 : vector<16xi32>
    %add3A_12 = arith.constant 0 : i32
    %add3A_13 = vector.broadcast %add3A_12 : i32 to vector<16xi32>
    %add3A_14 = arith.addi %iota3A, %add3A_13 : vector<16xi32>
    %gather3A = tpu.vector_load_idx %arg5[%add3A_14] : memref<3344xi32, #tpu.memory_space<vmem>>[vector<16xi32>], vector<16xi32>,
    %add3A_15 = arith.constant 16 : i32
    %add3A_16 = vector.broadcast %add3A_15 : i32 to vector<16xi32>
    %add3A_17 = arith.addi %iota3A, %add3A_16 : vector<16xi32>
    %gather3A_18 = tpu.vector_load_idx %arg5[%add3A_17] : memref<3344xi32, #tpu.memory_space<vmem>>[vector<16xi32>], vector<16xi32>,
    tpu.vector_store_idx %arg6[%broadcast_in_dim3A_5, %iota3A, %gather3A], %broadcast_in_dim3A_7 : memref<1x26x1000xf32, #tpu.memory_space<vmem>>[vector<16xi32>, vector<16xi32>, vector<16xi32>], vector<16xf32>,
    %add3A_19 = arith.constant 16 : i32
    %add3A_20 = vector.broadcast %add3A_19 : i32 to vector<16xi32>
    %add3A_21 = arith.addi %iota3A, %add3A_20 : vector<16xi32>
    tpu.vector_store_idx %arg6[%broadcast_in_dim3A_5, %add3A_21, %gather3A_18], %broadcast_in_dim3A_7 masked %lt3A_11 : memref<1x26x1000xf32, #tpu.memory_space<vmem>>[vector<16xi32>, vector<16xi32>, vector<16xi32>], vector<16xf32>, vector<16xi1>
    %add3A_22 = arith.constant 0 : i32
    %add3A_23 = arith.addi %mul3A_2, %add3A_22 : i32
    %dma_start3A = arith.constant 0 : i32
    %dma_start3A_24 = arith.constant 0 : i32
    %dma_start3A_25 = tpu.memref_slice %arg4[%add3A_23, %dma_start3A, %dma_start3A_24] : memref<4096x26x1000xf32, #tpu.memory_space<hbm>> -> memref<1x26x1000xf32, #tpu.memory_space<hbm>>
    %dma_start3A_26 = arith.constant 0 : i32
    %dma_start3A_27 = arith.constant 0 : i32
    %dma_start3A_28 = tpu.memref_slice %arg4[%add3A_23, %dma_start3A_26, %dma_start3A_27] : memref<4096x26x1000xf32, #tpu.memory_space<hbm>> -> memref<1x26x1000xf32, #tpu.memory_space<hbm>>
    tpu.enqueue_dma source(%arg6 : memref<1x26x1000xf32, #tpu.memory_space<vmem>>) target(%dma_start3A_28 : memref<1x26x1000xf32, #tpu.memory_space<hbm>>) target_semaphore(%arg8 : memref<!tpu.dma_semaphore, #tpu.memory_space<semaphore_mem>>)
    %add3A_29 = arith.constant 26 : i32
    %add3A_30 = vector.broadcast %add3A_29 : i32 to vector<16xi32>
    %add3A_31 = arith.addi %iota3A, %add3A_30 : vector<16xi32>
    %gather3A_32 = tpu.vector_load_idx %arg5[%add3A_31] : memref<3344xi32, #tpu.memory_space<vmem>>[vector<16xi32>], vector<16xi32>,
    %add3A_33 = arith.constant 42 : i32
    %add3A_34 = vector.broadcast %add3A_33 : i32 to vector<16xi32>
    %add3A_35 = arith.addi %iota3A, %add3A_34 : vector<16xi32>
    %gather3A_36 = tpu.vector_load_idx %arg5[%add3A_35] : memref<3344xi32, #tpu.memory_space<vmem>>[vector<16xi32>], vector<16xi32>,
    tpu.vector_store_idx %arg7[%broadcast_in_dim3A_5, %iota3A, %gather3A_32], %broadcast_in_dim3A_7 : memref<1x26x1000xf32, #tpu.memory_space<vmem>>[vector<16xi32>, vector<16xi32>, vector<16xi32>], vector<16xf32>,
    %add3A_37 = arith.constant 16 : i32
    %add3A_38 = vector.broadcast %add3A_37 : i32 to vector<16xi32>
    %add3A_39 = arith.addi %iota3A, %add3A_38 : vector<16xi32>
    tpu.vector_store_idx %arg7[%broadcast_in_dim3A_5, %add3A_39, %gather3A_36], %broadcast_in_dim3A_7 masked %lt3A_11 : memref<1x26x1000xf32, #tpu.memory_space<vmem>>[vector<16xi32>, vector<16xi32>, vector<16xi32>], vector<16xf32>, vector<16xi1>
    %add3A_40 = arith.constant 1 : i32
    %add3A_41 = arith.addi %mul3A_2, %add3A_40 : i32
    %dma_start3A_42 = arith.constant 0 : i32
    %dma_start3A_43 = arith.constant 0 : i32
    %dma_start3A_44 = tpu.memref_slice %arg4[%add3A_41, %dma_start3A_42, %dma_start3A_43] : memref<4096x26x1000xf32, #tpu.memory_space<hbm>> -> memref<1x26x1000xf32, #tpu.memory_space<hbm>>
    %dma_start3A_45 = arith.constant 0 : i32
    %dma_start3A_46 = arith.constant 0 : i32
    %dma_start3A_47 = tpu.memref_slice %arg4[%add3A_41, %dma_start3A_45, %dma_start3A_46] : memref<4096x26x1000xf32, #tpu.memory_space<hbm>> -> memref<1x26x1000xf32, #tpu.memory_space<hbm>>
    tpu.enqueue_dma source(%arg7 : memref<1x26x1000xf32, #tpu.memory_space<vmem>>) target(%dma_start3A_47 : memref<1x26x1000xf32, #tpu.memory_space<hbm>>) target_semaphore(%arg9 : memref<!tpu.dma_semaphore, #tpu.memory_space<semaphore_mem>>)
    %scan3A = arith.constant 0 : i32
    %scan3A_48 = arith.constant 1 : i32
    %scan3A_49 = arith.constant 63 : i32
    %scan3A_50 = arith.addi %scan3A_48, %scan3A_49 : i32
    %scan3A_51 = arith.constant 1 : i32
    scf.for %scan3A_68 = %scan3A_48 to %scan3A_50 step %scan3A_51  : i32 {
      %mul3A_69 = arith.constant 2 : i32
      %mul3A_70 = arith.muli %mul3A_69, %scan3A_68 : i32
      %sub3A = arith.constant 2 : i32
      %sub3A_71 = arith.subi %mul3A_70, %sub3A : i32
      %add3A_72 = arith.constant 0 : i32
      %add3A_73 = arith.addi %sub3A_71, %add3A_72 : i32
      %mul3A_74 = arith.constant 2 : i32
      %mul3A_75 = arith.muli %mul3A_74, %scan3A_68 : i32
      %add3A_76 = arith.constant 0 : i32
      %add3A_77 = arith.addi %mul3A_75, %add3A_76 : i32
      %add3A_78 = arith.addi %mul3A_2, %add3A_73 : i32
      %dma_wait3A_79 = arith.constant 0 : i32
      %dma_wait3A_80 = arith.constant 0 : i32
      %dma_wait3A_81 = tpu.memref_slice %arg4[%add3A_78, %dma_wait3A_79, %dma_wait3A_80] : memref<4096x26x1000xf32, #tpu.memory_space<hbm>> -> memref<1x26x1000xf32, #tpu.memory_space<hbm>>
      %dma_wait3A_82 = arith.constant 0 : i32
      %dma_wait3A_83 = arith.constant 0 : i32
      %dma_wait3A_84 = tpu.memref_slice %arg4[%add3A_78, %dma_wait3A_82, %dma_wait3A_83] : memref<4096x26x1000xf32, #tpu.memory_space<hbm>> -> memref<1x26x1000xf32, #tpu.memory_space<hbm>>
      tpu.wait_dma2 semaphore(%arg8 : memref<!tpu.dma_semaphore, #tpu.memory_space<semaphore_mem>>) src(%arg6 : memref<1x26x1000xf32, #tpu.memory_space<vmem>>) dst(%dma_wait3A_84 : memref<1x26x1000xf32, #tpu.memory_space<hbm>>)
      %mul3A_85 = arith.constant 26 : i32
      %mul3A_86 = arith.muli %add3A_73, %mul3A_85 : i32
      %add3A_87 = vector.broadcast %mul3A_86 : i32 to vector<16xi32>
      %add3A_88 = arith.addi %iota3A, %add3A_87 : vector<16xi32>
      %gather3A_89 = tpu.vector_load_idx %arg5[%add3A_88] : memref<3344xi32, #tpu.memory_space<vmem>>[vector<16xi32>], vector<16xi32>,
      %mul3A_90 = arith.constant 26 : i32
      %mul3A_91 = arith.muli %add3A_73, %mul3A_90 : i32
      %add3A_92 = arith.constant 16 : i32
      %add3A_93 = arith.addi %mul3A_91, %add3A_92 : i32
      %add3A_94 = vector.broadcast %add3A_93 : i32 to vector<16xi32>
      %add3A_95 = arith.addi %iota3A, %add3A_94 : vector<16xi32>
      %gather3A_96 = tpu.vector_load_idx %arg5[%add3A_95] : memref<3344xi32, #tpu.memory_space<vmem>>[vector<16xi32>], vector<16xi32>,
      tpu.vector_store_idx %arg6[%broadcast_in_dim3A_5, %iota3A, %gather3A_89], %broadcast_in_dim3A_9 : memref<1x26x1000xf32, #tpu.memory_space<vmem>>[vector<16xi32>, vector<16xi32>, vector<16xi32>], vector<16xf32>,
      %add3A_97 = arith.constant 16 : i32
      %add3A_98 = vector.broadcast %add3A_97 : i32 to vector<16xi32>
      %add3A_99 = arith.addi %iota3A, %add3A_98 : vector<16xi32>
      tpu.vector_store_idx %arg6[%broadcast_in_dim3A_5, %add3A_99, %gather3A_96], %broadcast_in_dim3A_9 masked %lt3A_11 : memref<1x26x1000xf32, #tpu.memory_space<vmem>>[vector<16xi32>, vector<16xi32>, vector<16xi32>], vector<16xf32>, vector<16xi1>
      %mul3A_100 = arith.constant 26 : i32
      %mul3A_101 = arith.muli %add3A_77, %mul3A_100 : i32
      %add3A_102 = vector.broadcast %mul3A_101 : i32 to vector<16xi32>
      %add3A_103 = arith.addi %iota3A, %add3A_102 : vector<16xi32>
      %gather3A_104 = tpu.vector_load_idx %arg5[%add3A_103] : memref<3344xi32, #tpu.memory_space<vmem>>[vector<16xi32>], vector<16xi32>,
      %mul3A_105 = arith.constant 26 : i32
      %mul3A_106 = arith.muli %add3A_77, %mul3A_105 : i32
      %add3A_107 = arith.constant 16 : i32
      %add3A_108 = arith.addi %mul3A_106, %add3A_107 : i32
      %add3A_109 = vector.broadcast %add3A_108 : i32 to vector<16xi32>
      %add3A_110 = arith.addi %iota3A, %add3A_109 : vector<16xi32>
      %gather3A_111 = tpu.vector_load_idx %arg5[%add3A_110] : memref<3344xi32, #tpu.memory_space<vmem>>[vector<16xi32>], vector<16xi32>,
      tpu.vector_store_idx %arg6[%broadcast_in_dim3A_5, %iota3A, %gather3A_104], %broadcast_in_dim3A_7 : memref<1x26x1000xf32, #tpu.memory_space<vmem>>[vector<16xi32>, vector<16xi32>, vector<16xi32>], vector<16xf32>,
      %add3A_112 = arith.constant 16 : i32
      %add3A_113 = vector.broadcast %add3A_112 : i32 to vector<16xi32>
      %add3A_114 = arith.addi %iota3A, %add3A_113 : vector<16xi32>
      tpu.vector_store_idx %arg6[%broadcast_in_dim3A_5, %add3A_114, %gather3A_111], %broadcast_in_dim3A_7 masked %lt3A_11 : memref<1x26x1000xf32, #tpu.memory_space<vmem>>[vector<16xi32>, vector<16xi32>, vector<16xi32>], vector<16xf32>, vector<16xi1>
      %add3A_115 = arith.addi %mul3A_2, %add3A_77 : i32
      %dma_start3A_116 = arith.constant 0 : i32
      %dma_start3A_117 = arith.constant 0 : i32
      %dma_start3A_118 = tpu.memref_slice %arg4[%add3A_115, %dma_start3A_116, %dma_start3A_117] : memref<4096x26x1000xf32, #tpu.memory_space<hbm>> -> memref<1x26x1000xf32, #tpu.memory_space<hbm>>
      %dma_start3A_119 = arith.constant 0 : i32
      %dma_start3A_120 = arith.constant 0 : i32
      %dma_start3A_121 = tpu.memref_slice %arg4[%add3A_115, %dma_start3A_119, %dma_start3A_120] : memref<4096x26x1000xf32, #tpu.memory_space<hbm>> -> memref<1x26x1000xf32, #tpu.memory_space<hbm>>
      tpu.enqueue_dma source(%arg6 : memref<1x26x1000xf32, #tpu.memory_space<vmem>>) target(%dma_start3A_121 : memref<1x26x1000xf32, #tpu.memory_space<hbm>>) target_semaphore(%arg8 : memref<!tpu.dma_semaphore, #tpu.memory_space<semaphore_mem>>)
      %mul3A_122 = arith.constant 2 : i32
      %mul3A_123 = arith.muli %mul3A_122, %scan3A_68 : i32
      %sub3A_124 = arith.constant 2 : i32
      %sub3A_125 = arith.subi %mul3A_123, %sub3A_124 : i32
      %add3A_126 = arith.constant 1 : i32
      %add3A_127 = arith.addi %sub3A_125, %add3A_126 : i32
      %mul3A_128 = arith.constant 2 : i32
      %mul3A_129 = arith.muli %mul3A_128, %scan3A_68 : i32
      %add3A_130 = arith.constant 1 : i32
      %add3A_131 = arith.addi %mul3A_129, %add3A_130 : i32
      %add3A_132 = arith.addi %mul3A_2, %add3A_127 : i32
      %dma_wait3A_133 = arith.constant 0 : i32
      %dma_wait3A_134 = arith.constant 0 : i32
      %dma_wait3A_135 = tpu.memref_slice %arg4[%add3A_132, %dma_wait3A_133, %dma_wait3A_134] : memref<4096x26x1000xf32, #tpu.memory_space<hbm>> -> memref<1x26x1000xf32, #tpu.memory_space<hbm>>
      %dma_wait3A_136 = arith.constant 0 : i32
      %dma_wait3A_137 = arith.constant 0 : i32
      %dma_wait3A_138 = tpu.memref_slice %arg4[%add3A_132, %dma_wait3A_136, %dma_wait3A_137] : memref<4096x26x1000xf32, #tpu.memory_space<hbm>> -> memref<1x26x1000xf32, #tpu.memory_space<hbm>>
      tpu.wait_dma2 semaphore(%arg9 : memref<!tpu.dma_semaphore, #tpu.memory_space<semaphore_mem>>) src(%arg7 : memref<1x26x1000xf32, #tpu.memory_space<vmem>>) dst(%dma_wait3A_138 : memref<1x26x1000xf32, #tpu.memory_space<hbm>>)
      %mul3A_139 = arith.constant 26 : i32
      %mul3A_140 = arith.muli %add3A_127, %mul3A_139 : i32
      %add3A_141 = vector.broadcast %mul3A_140 : i32 to vector<16xi32>
      %add3A_142 = arith.addi %iota3A, %add3A_141 : vector<16xi32>
      %gather3A_143 = tpu.vector_load_idx %arg5[%add3A_142] : memref<3344xi32, #tpu.memory_space<vmem>>[vector<16xi32>], vector<16xi32>,
      %mul3A_144 = arith.constant 26 : i32
      %mul3A_145 = arith.muli %add3A_127, %mul3A_144 : i32
      %add3A_146 = arith.constant 16 : i32
      %add3A_147 = arith.addi %mul3A_145, %add3A_146 : i32
      %add3A_148 = vector.broadcast %add3A_147 : i32 to vector<16xi32>
      %add3A_149 = arith.addi %iota3A, %add3A_148 : vector<16xi32>
      %gather3A_150 = tpu.vector_load_idx %arg5[%add3A_149] : memref<3344xi32, #tpu.memory_space<vmem>>[vector<16xi32>], vector<16xi32>,
      tpu.vector_store_idx %arg7[%broadcast_in_dim3A_5, %iota3A, %gather3A_143], %broadcast_in_dim3A_9 : memref<1x26x1000xf32, #tpu.memory_space<vmem>>[vector<16xi32>, vector<16xi32>, vector<16xi32>], vector<16xf32>,
      %add3A_151 = arith.constant 16 : i32
      %add3A_152 = vector.broadcast %add3A_151 : i32 to vector<16xi32>
      %add3A_153 = arith.addi %iota3A, %add3A_152 : vector<16xi32>
      tpu.vector_store_idx %arg7[%broadcast_in_dim3A_5, %add3A_153, %gather3A_150], %broadcast_in_dim3A_9 masked %lt3A_11 : memref<1x26x1000xf32, #tpu.memory_space<vmem>>[vector<16xi32>, vector<16xi32>, vector<16xi32>], vector<16xf32>, vector<16xi1>
      %mul3A_154 = arith.constant 26 : i32
      %mul3A_155 = arith.muli %add3A_131, %mul3A_154 : i32
      %add3A_156 = vector.broadcast %mul3A_155 : i32 to vector<16xi32>
      %add3A_157 = arith.addi %iota3A, %add3A_156 : vector<16xi32>
      %gather3A_158 = tpu.vector_load_idx %arg5[%add3A_157] : memref<3344xi32, #tpu.memory_space<vmem>>[vector<16xi32>], vector<16xi32>,
      %mul3A_159 = arith.constant 26 : i32
      %mul3A_160 = arith.muli %add3A_131, %mul3A_159 : i32
      %add3A_161 = arith.constant 16 : i32
      %add3A_162 = arith.addi %mul3A_160, %add3A_161 : i32
      %add3A_163 = vector.broadcast %add3A_162 : i32 to vector<16xi32>
      %add3A_164 = arith.addi %iota3A, %add3A_163 : vector<16xi32>
      %gather3A_165 = tpu.vector_load_idx %arg5[%add3A_164] : memref<3344xi32, #tpu.memory_space<vmem>>[vector<16xi32>], vector<16xi32>,
      tpu.vector_store_idx %arg7[%broadcast_in_dim3A_5, %iota3A, %gather3A_158], %broadcast_in_dim3A_7 : memref<1x26x1000xf32, #tpu.memory_space<vmem>>[vector<16xi32>, vector<16xi32>, vector<16xi32>], vector<16xf32>,
      %add3A_166 = arith.constant 16 : i32
      %add3A_167 = vector.broadcast %add3A_166 : i32 to vector<16xi32>
      %add3A_168 = arith.addi %iota3A, %add3A_167 : vector<16xi32>
      tpu.vector_store_idx %arg7[%broadcast_in_dim3A_5, %add3A_168, %gather3A_165], %broadcast_in_dim3A_7 masked %lt3A_11 : memref<1x26x1000xf32, #tpu.memory_space<vmem>>[vector<16xi32>, vector<16xi32>, vector<16xi32>], vector<16xf32>, vector<16xi1>
      %add3A_169 = arith.addi %mul3A_2, %add3A_131 : i32
      %dma_start3A_170 = arith.constant 0 : i32
      %dma_start3A_171 = arith.constant 0 : i32
      %dma_start3A_172 = tpu.memref_slice %arg4[%add3A_169, %dma_start3A_170, %dma_start3A_171] : memref<4096x26x1000xf32, #tpu.memory_space<hbm>> -> memref<1x26x1000xf32, #tpu.memory_space<hbm>>
      %dma_start3A_173 = arith.constant 0 : i32
      %dma_start3A_174 = arith.constant 0 : i32
      %dma_start3A_175 = tpu.memref_slice %arg4[%add3A_169, %dma_start3A_173, %dma_start3A_174] : memref<4096x26x1000xf32, #tpu.memory_space<hbm>> -> memref<1x26x1000xf32, #tpu.memory_space<hbm>>
      tpu.enqueue_dma source(%arg7 : memref<1x26x1000xf32, #tpu.memory_space<vmem>>) target(%dma_start3A_175 : memref<1x26x1000xf32, #tpu.memory_space<hbm>>) target_semaphore(%arg9 : memref<!tpu.dma_semaphore, #tpu.memory_space<semaphore_mem>>)
    }
    %scan3A_52 = arith.constant 63 : i32
    %add3A_53 = arith.constant 126 : i32
    %add3A_54 = arith.addi %mul3A_2, %add3A_53 : i32
    %dma_wait3A = arith.constant 0 : i32
    %dma_wait3A_55 = arith.constant 0 : i32
    %dma_wait3A_56 = tpu.memref_slice %arg4[%add3A_54, %dma_wait3A, %dma_wait3A_55] : memref<4096x26x1000xf32, #tpu.memory_space<hbm>> -> memref<1x26x1000xf32, #tpu.memory_space<hbm>>
    %dma_wait3A_57 = arith.constant 0 : i32
    %dma_wait3A_58 = arith.constant 0 : i32
    %dma_wait3A_59 = tpu.memref_slice %arg4[%add3A_54, %dma_wait3A_57, %dma_wait3A_58] : memref<4096x26x1000xf32, #tpu.memory_space<hbm>> -> memref<1x26x1000xf32, #tpu.memory_space<hbm>>
    tpu.wait_dma2 semaphore(%arg8 : memref<!tpu.dma_semaphore, #tpu.memory_space<semaphore_mem>>) src(%arg6 : memref<1x26x1000xf32, #tpu.memory_space<vmem>>) dst(%dma_wait3A_59 : memref<1x26x1000xf32, #tpu.memory_space<hbm>>)
    %add3A_60 = arith.constant 127 : i32
    %add3A_61 = arith.addi %mul3A_2, %add3A_60 : i32
    %dma_wait3A_62 = arith.constant 0 : i32
    %dma_wait3A_63 = arith.constant 0 : i32
    %dma_wait3A_64 = tpu.memref_slice %arg4[%add3A_61, %dma_wait3A_62, %dma_wait3A_63] : memref<4096x26x1000xf32, #tpu.memory_space<hbm>> -> memref<1x26x1000xf32, #tpu.memory_space<hbm>>
    %dma_wait3A_65 = arith.constant 0 : i32
    %dma_wait3A_66 = arith.constant 0 : i32
    %dma_wait3A_67 = tpu.memref_slice %arg4[%add3A_61, %dma_wait3A_65, %dma_wait3A_66] : memref<4096x26x1000xf32, #tpu.memory_space<hbm>> -> memref<1x26x1000xf32, #tpu.memory_space<hbm>>
    tpu.wait_dma2 semaphore(%arg9 : memref<!tpu.dma_semaphore, #tpu.memory_space<semaphore_mem>>) src(%arg7 : memref<1x26x1000xf32, #tpu.memory_space<vmem>>) dst(%dma_wait3A_67 : memref<1x26x1000xf32, #tpu.memory_space<hbm>>)
    return
  }
}

</mosaic_0001>

<sc_bundles>
// kernel: kernel.3.cloned.1.call-start
scs
__scs_entry_jumppad:
0x0: {  	(pc) =	sbr.rel $0x88, $3  }
0x1: {  	(tag) =	ssettag $0x0;
	lr =	simm.s32 $0x1  }
0x2: {  	[smem:$0x3FA0] =	sst lr;
	_ =	strace $0xD0000000  }
0x3: {  	_ = 	snop  }
0x4: {  	_ = 	snop  }
0x5: {  	_ = 	snop  }
0x6: {  	_ = 	snop  }
0x7: {  	_ = 	snop  }
__scs_overlays_trampoline_lowered:
0x8: {  	[smem:$0x3FAF] =	sst s0  }
0x9: {  	[smem:$0x3FB0] =	sst s1  }
0xa: {  	[smem:$0x3FB1] =	sst s2  }
0xb: {  	[smem:$0x3FB2] =	sst s3  }
0xc: {  	[smem:$0x3FB3] =	sst s4  }
0xd: {  	[smem:$0x3FB4] =	sst s5  }
0xe: {  	[smem:$0x3FB5] =	sst s6  }
0xf: {  	[smem:$0x3FB6] =	sst s7  }
0x10: {  	[smem:$0x3FB7] =	sst s8  }
0x11: {  	[smem:$0x3FB8] =	sst s9;
	s0 =	simm.s32 @!p0 $0x0  }
0x12: {  	s1 =	sld [smem:$0x3F9E];
	s0 =	simm.s32 @p0 $0x1  }
0x13: {  	[smem:$0x3FB9] =	sst s0;
	s0 =	simm.s32 @!p1 $0x0  }
0x14: {  	s2 =	sld [smem:$0x3F9D];
	s0 =	simm.s32 @p1 $0x1  }
0x15: {  	[smem:$0x3FBA] =	sst s0;
	s0 =	simm.s32 @!p2 $0x0  }
0x16: {  	s3 =	sld [smem:$0x3FDB];
	s0 =	simm.s32 @p2 $0x1  }
0x17: {  	s4 =	simm.s32 $0x1BF5;
	[smem:$0x3FBC] =	sst s0  }
0x18: {  	s0 =	sld [smem:$0x3F9F];
	_ =	swait.ge [sflag:s4], $0x0  }
0x19: {  	s7 =	sld [smem:$0x3FA0]  }
0x1a: {  	s8 =	sadd.s32 $0xFFFFE003, lr  }
0x1b: {  	s9 =	sadd.s32 $0xFFFFFEF7, lr;
	s5 =	simm.s32 $0xFFFFFFFF;
	p2 =	slt.u32 s8, $0xFFFFF086  }
0x1c: {  	p1 =	slt.u32 s9, $0xF7A;
	s5 =	simm.s32 @!p2 $0x0  }
0x1d: {  	s5 =	simm.s32 @p1 $0x1;
	p0 =	seq.s32 s7, s2  }
0x1e: {  	s7 =	smul.u32 @!p0 $0xF7A, s2;
	p2 =	seq.s32 @!p0 s5, $0x0  }
0x1f: {  	s9 =	smul.u32 $0xF7A, s1;
	s8 =	simm.s32 @!p0 $0x1BF5;
	p2 =	por !p2, p0  }
0x20: {  	[sflag:s8] =	ssyncset.s32 @!p0 $0xFFFFF086;
	s6 =	sadd.s32 @!p0 s3, s7;
	s7 =	simm.s32 @!p0 $0x108  }
0x21: {  	s3 =	sadd.s32 s3, s9;
	s6 =	sadd.s32 @!p0 $0x88, s6;
	s7 =	simm.s32 @p2 $0x1082  }
0x22: {  	[simem:s7], [sflag:s8] =	dma.local @!p0 [hbm:s6], $0xF7A  }
0x23: {  	s9 =	sor.u32 $0xD0000000, s2;
	s6 =	simm.s32 $0x108;
	_ =	swait.ge @!p0 [sflag:s8], $0x0  }
0x24: {  	s3 =	sadd.s32 $0x88, s3;
	s6 =	simm.s32 @!p1 $0x1082;
	[sflag:s4] =	ssyncset.s32 $0xFFFFF086  }
0x25: {  	[simem:s6], [sflag:s4] =	dma.local [hbm:s3], $0xF7A  }
0x26: {  	[smem:$0x3FA0] =	sst s1;
	(tag) =	ssettag s2;
	_ =	strace s9  }
0x27: {  	s1 =	sld [smem:$0x3FB0]  }
0x28: {  	s2 =	sld [smem:$0x3FB1]  }
0x29: {  	s4 =	sld [smem:$0x3FB3]  }
0x2a: {  	p0 =	seq.s32 s5, $0x0;
	s5 =	sld [smem:$0x3FB4]  }
0x2b: {  	s6 =	sld [smem:$0x3FB5]  }
0x2c: {  	s7 =	sld [smem:$0x3FB6]  }
0x2d: {  	s3 =	simm.s32 $0x108;
	s8 =	sld [smem:$0x3FB7]  }
0x2e: {  	s3 =	simm.s32 @!p0 $0x1082;
	s9 =	sld [smem:$0x3FB8]  }
0x2f: {  	lr =	sadd.s32 s0, s3;
	s0 =	sld [smem:$0x3FAF]  }
0x30: {  	s3 =	sld [smem:$0x3FB2]  }
0x31: {  	[smem:$0x3FBB] =	sst s10  }
0x32: {  	s10 =	sld [smem:$0x3FB9];
	_ =	sdelay $0x3  }
0x33: {  	p0 =	seq.s32 s10, $0x1;
	s10 =	sld [smem:$0x3FBB];
	_ =	sdelay $0x3  }
0x34: {  	[smem:$0x3FBB] =	sst s10  }
0x35: {  	s10 =	sld [smem:$0x3FBA];
	_ =	sdelay $0x3  }
0x36: {  	p1 =	seq.s32 s10, $0x1;
	s10 =	sld [smem:$0x3FBB];
	_ =	sdelay $0x3  }
0x37: {  	[smem:$0x3FBB] =	sst s10  }
0x38: {  	s10 =	sld [smem:$0x3FBC]  }
0x39: {  	_ = 	snop;
	(pc) =	sbr.ind lr, $3  }
0x3a: {  	_ = 	snop  }
0x3b: {  	_ = 	snop  }
0x3c: {  	p2 =	seq.s32 s10, $0x1;
	s10 =	sld [smem:$0x3FBB]  }
0x3d: {  	_ =	shalt  }
0x3e: {  	_ =	shalt  }
0x3f: {  	_ =	shalt  }
0x40: {  	_ =	shalt  }
0x41: {  	_ =	shalt  }
0x42: {  	_ =	shalt  }
0x43: {  	_ =	shalt  }
0x44: {  	_ =	shalt  }
0x45: {  	_ =	shalt  }
0x46: {  	_ =	shalt  }
0x47: {  	_ =	shalt  }
0x48: {  	_ =	shalt  }
0x49: {  	_ =	shalt  }
0x4a: {  	_ =	shalt  }
0x4b: {  	_ =	shalt  }
0x4c: {  	_ =	shalt  }
0x4d: {  	_ =	shalt  }
0x4e: {  	_ =	shalt  }
0x4f: {  	_ =	shalt  }
0x50: {  	_ =	shalt  }
0x51: {  	_ =	shalt  }
0x52: {  	_ =	shalt  }
0x53: {  	_ =	shalt  }
0x54: {  	_ =	shalt  }
0x55: {  	_ =	shalt  }
0x56: {  	_ =	shalt  }
0x57: {  	_ =	shalt  }
0x58: {  	_ =	shalt  }
0x59: {  	_ =	shalt  }
0x5a: {  	_ =	shalt  }
0x5b: {  	_ =	shalt  }
0x5c: {  	_ =	shalt  }
0x5d: {  	_ =	shalt  }
0x5e: {  	_ =	shalt  }
0x5f: {  	_ =	shalt  }
0x60: {  	_ =	shalt  }
0x61: {  	_ =	shalt  }
0x62: {  	_ =	shalt  }
0x63: {  	_ =	shalt  }
0x64: {  	_ =	shalt  }
0x65: {  	_ =	shalt  }
0x66: {  	_ =	shalt  }
0x67: {  	_ =	shalt  }
0x68: {  	_ =	shalt  }
0x69: {  	_ =	shalt  }
0x6a: {  	_ =	shalt  }
0x6b: {  	_ =	shalt  }
0x6c: {  	_ =	shalt  }
0x6d: {  	_ =	shalt  }
0x6e: {  	_ =	shalt  }
0x6f: {  	_ =	shalt  }
0x70: {  	_ =	shalt  }
0x71: {  	_ =	shalt  }
0x72: {  	_ =	shalt  }
0x73: {  	_ =	shalt  }
0x74: {  	_ =	shalt  }
0x75: {  	_ =	shalt  }
0x76: {  	_ =	shalt  }
0x77: {  	_ =	shalt  }
0x78: {  	_ =	shalt  }
0x79: {  	_ =	shalt  }
0x7a: {  	_ =	shalt  }
0x7b: {  	_ =	shalt  }
0x7c: {  	_ =	shalt  }
0x7d: {  	_ =	shalt  }
0x7e: {  	_ =	shalt  }
0x7f: {  	_ =	shalt  }
0x80: {  	_ =	shalt  }
0x81: {  	_ =	shalt  }
0x82: {  	_ =	shalt  }
0x83: {  	_ =	shalt  }
0x84: {  	_ =	shalt  }
0x85: {  	_ =	shalt  }
0x86: {  	_ =	shalt  }
0x87: {  	_ =	shalt  }
.Lfunc_end0:
.L_simem_size_0:
called_computation_lowered:
.L_overlay_start_0:
0x88: {  	s2 =	sld [smem:$0x3FD9]  }
0x89: {  	s3 =	sld [smem:$0x3FFE];
	_ =	sdelay $0x1  }
0x8a: {  	s1 =	srdreg.scid  }
0x8b: {  	s0 =	sand.u32 $0x1, s1  }
0x8c: {  	s17 =	sshll.u32 s0, $0xA;
	s2 =	sadd.s32 s3, s2  }
0x8d: {  	s2 =	sadd.s32 s2, s17  }
0x8e: {  	[smem:$0x3FC7] =	sst s2  }
0x8f: {  	_ = 	snop  }
0x90: {  	s2 =	sld [smem:$0x3FD0];
	(tm) =	ssettm $0x1  }
0x91: {  	s18 =	sld [smem:$0x3FFB];
	_ =	sdelay $0x3  }
0x92: {  	_ =	strace s18  }
0x93: {  	s3 =	sld [smem:$0x3FFC];
	_ =	sdelay $0x3  }
0x94: {  	_ =	strace s3  }
0x95: {  	s3 =	sld [smem:$0x3FFD];
	_ =	sdelay $0x3  }
0x96: {  	_ =	strace s3  }
0x97: {  	_ =	strace $0x8FFFFFFF  }
0x98: {  	s19 =	sld [smem:$0x3FDB];
	_ =	sdelay $0x1  }
0x99: {  	s4 =	simm.s32 $_scs_section_size  }
0x9a: {  	s5 =	simm.s32 $_size__tile_overlayer_lowered;
	s6 =	simm.s32 $_tile_overlayer_lowered  }
0x9b: {  	s22 =	simm.s32 $0x1BFF;
	s21 =	sshll.u32 s6, $0x1;
	s3 =	sadd.s32 s4, s19  }
0x9c: {  	s7 =	simm.s32 $0x0;
	s20 =	sshll.u32 s5, $0x1;
	s5 =	sadd.s32 s21, s3  }
0x9d: {  	[timem:s7], [sflag:s22] =	dma.local [hbm:s5], s20  }
0x9e: {  	_ =	swait.ge [sflag:s22], s20  }
0x9f: {  	s4 =	ssub.s32 $0x0, s20;
	[sflag:s22] =	ssyncset.done $0x0  }
0xa0: {  	[sflag:s22] =	ssyncadd.s32 s4;
	_ =	sdelay $0x1  }
0xa1: {  	s23 =	simm.s32 $0x1B8B  }
0xa2: {  	_ =	swait.ge [sflag:s23], $0x1  }
0xa3: {  	[sflag:s23] =	ssyncset.done $0x0  }
0xa4: {  	s25 =	simm.s32 $0x1B8E;
	s24 =	sld [smem:$0x3FFE];
	[sflag:s23] =	ssyncadd.s32 $0xFFFFFFFF  }
0xa5: {  	s26 =	simm.s32 $execute0_lowered;
	[smem:$0x3FD2] =	sst s25  }
0xa6: {  	s5 =	sshll.u32 s26, $0x1;
	_ =	strace $0x80000046;
	[dreg:$0x1] =	wrdreg $0xFFFFFFFF  }
0xa7: {  	s28 =	simm.s32 $_size_execute0_lowered;
	s3 =	sadd.s32 s3, s5;
	[dreg:$0x0] =	wrdreg $0x0  }
0xa8: {  	s5 =	sshll.u32 s28, $0x1;
	[dreg:$0x2] =	wrdreg s3  }
0xa9: {  	[dreg:$0x3] =	wrdreg s5  }
0xaa: {  	[dreg:$0x4] =	wrdreg $0xC0  }
0xab: {  	_ =	task [dreg:s7], $0x5FFFF  }
0xac: {  	[dreg:$0x1] =	wrdreg $0xFFFFFFFF  }
0xad: {  	[dreg:$0x0] =	wrdreg $0x60  }
0xae: {  	[dreg:$0x2] =	wrdreg s2  }
0xaf: {  	[dreg:$0x3] =	wrdreg s24  }
0xb0: {  	[dreg:$0x4] =	wrdreg $0x9  }
0xb1: {  	_ =	task.clear_ibuf [dreg:s7], $0x5FFFF;
	_ =	strace $0x90000046  }
0xb2: {  	s29 =	simm.s32 $0x9;
	_ =	strace $0x80000048  }
0xb3: {  	_ =	swait.ge [sflag:s29], $0x1  }
0xb4: {  	[sflag:s29] =	ssyncadd.s32 $0xFFFFFFFF  }
0xb5: {  	_ =	strace $0x90000048  }
0xb6: {  	_ =	sfence  }
0xb7: {  	s30 =	sld [smem:$0x0];
	_ =	sdelay $0x2  }
0xb8: {  	s31 =	sshll.u32 s1, $0xD;
	s1 =	sshrl.u32 s1, $0x2  }
0xb9: {  	s3 =	sand.u32 $0x4000, s31;
	s1 =	sadd.s32 s1, s30  }
0xba: {  	s0 =	sor.u32 s3, s0;
	s1 =	sshll.u32 s1, $0x11  }
0xbb: {  	s0 =	sor.u32 s1, s0  }
0xbc: {  	s0 =	sadd.s32 $0x8F2B, s0  }
0xbd: {  	[sflag:s0] =	ssyncadd.remote.s32 $0x1  }
0xbe: {  	_ =	sfence.sel $0xFFFF  }
0xbf: {  	[dreg:$0x0] =	wrdreg $0xFFFFFFFF;
	(pc) =	sbr.abs _section_cstart, $3  }
0xc0: {  	[dreg:$0x1] =	wrdreg $0xFFFFFFFF  }
0xc1: {  	_ =	task.clear_ibuf [dreg:s7], $0x2FFFF;
	_ =	strace $0x9FFFFFFF  }
0xc2: {  	(tm) =	ssettm $0x7FFFFFFF  }
0xc3: {  	_ =	shalt  }
tec
execute0_lowered:
.L_overlay_start_1:
0x0: {  	(tag) =	ssettag $0x1  }
0x1: {  	v0 =	vlaneseq.u32;
	v2 =	vimm.s32 $0x2380  }
0x2: {  	vm0 =	vcmask $0x300;
	v3 =	vimm.s32 $0x6380;
	vm1 =	vcmask $0x704  }
0x3: {  	vm15 =	vcmask $0xB08;
	vm4 =	vcmask $0xF0C;
	vm5 =	vcmask $0x1310  }
0x4: {  	vm6 =	vcmask $0x1714;
	v2 =	vsel vm0, $0x0, v2;
	v3 =	vsel vm0, $0x4000, v3  }
0x5: {  	vm7 =	vcmask $0x1B18;
	v2 =	vsel vm1, $0x80, v2;
	v3 =	vsel vm1, $0x4080, v3  }
0x6: {  	s5 =	rddreg [dreg:$0x0];
	vm8 =	vcmask $0x1F1C;
	v2 =	vsel vm15, $0x100, v2;
	v3 =	vsel vm15, $0x4100, v3  }
0x7: {  	s4 =	rddreg [dreg:$0x1];
	vm9 =	vcmask $0x2320;
	v2 =	vsel vm4, $0x180, v2;
	v3 =	vsel vm4, $0x4180, v3  }
0x8: {  	s0 =	rddreg [dreg:$0x2];
	s1 =	simm.s32 $0x0;
	vm10 =	vcmask $0x2724;
	v2 =	vsel vm5, $0x200, v2;
	v3 =	vsel vm5, $0x4200, v3  }
0x9: {  	s3 =	srdreg.scid;
	s2 =	stileid.u32;
	vm11 =	vcmask $0x2B28;
	s12 =	simm.s32 $0x1;
	v2 =	vsel vm6, $0x280, v2;
	v3 =	vsel vm6, $0x4280, v3  }
0xa: {  	vm12 =	vcmask $0x2F2C;
	s13 =	simm.s32 $0x8D80;
	s14 =	simm.s32 $0x2;
	s15 =	simm.s32 $0x0;
	v2 =	vsel vm7, $0x300, v2;
	v3 =	vsel vm7, $0x4300, v3  }
0xb: {  	vm13 =	vcmask $0x3330;
	[smem:$0x7FF] =	sst s1;
	s6 =	sand.u32 $0x1, s3;
	s7 =	sshll.u32 s2, $0x1;
	v2 =	vsel vm8, $0x380, v2;
	v3 =	vsel vm8, $0x4380, v3  }
0xc: {  	vm14 =	vcmask $0x3734;
	s3 =	sadd.s32 $0x400, s4;
	s9 =	sadd.s32 $0x1400, s4;
	s11 =	sshll.u32 s2, $0x14;
	v2 =	vsel vm9, $0x2000, v2;
	v3 =	vsel vm9, $0x6000, v3  }
0xd: {  	v7 =	vimm.f32 $0.0e+00;
	_ =	strace $0x80000047;
	s8 =	ssub.s32 $0x2, s6;
	s7 =	sor.u32 s6, s7;
	v2 =	vsel vm10, $0x2080, v2;
	v3 =	vsel vm10, $0x6080, v3  }
0xe: {  	v1 =	vor.u32 $0x10, v0;
	s6 =	sshll.u32 s6, $0x13;
	s30 =	sshrl.u32 s8, $0x1;
	s10 =	smul.u32 $0x1A0, s7;
	v2 =	vsel vm11, $0x2100, v2;
	v3 =	vsel vm11, $0x6100, v3  }
0xf: {  	v5 =	vadd.s32 $0x1A, v0;
	s7 =	sshll.u32 s7, $0x13;
	s31 =	sor.u32 s6, s11;
	s11 =	simm.s32 $0xD80;
	v2 =	vsel vm12, $0x2180, v2;
	v3 =	vsel vm12, $0x6180, v3  }
0x10: {  	v6 =	vadd.s32 $0x2A, v0;
	s8 =	ssub.s32 s8, s30;
	s4 =	sadd.s32 s9, s7;
	s9 =	sadd.s32 s31, s9;
	v2 =	vsel vm13, $0x2200, v2;
	v3 =	vsel vm13, $0x6200, v3  }
0x11: {  	vm15 =	vcmask $0x3B38;
	s5 =	sadd.s32 s5, s10;
	s6 =	sadd.s32 $0x1000, s4;
	s7 =	smax.u32 s8, $0x1;
	v2 =	vsel vm14, $0x2280, v2;
	v4 =	vsel vm14, $0x6280, v3  }
0x12: {  	s8 =	sadd.s32 $0x2000, s9;
	s9 =	sadd.s32 $0x3000, s9;
	s10 =	simm.s32 $0x3;
	v3 =	vimm.f32 $1.000000000e+00;
	v2 =	vsel vm15, $0x2300, v2;
	v4 =	vsel vm15, $0x6300, v4  }
.LBB2_1:
0x13: {  	[tilespmem:s1], [sflag:$0x3] =	stream.linear.gather [hbm4b:s5+s1], $0xD00, $0x38;
	[tilespmem:$0x10D80] =	vst v63  }
0x14: {  	_ =	swait.ge [sflag:s10], $0xD00  }
0x15: {  	[sflag:s10] =	ssyncset.done $0x0  }
0x16: {  	[sflag:s10] =	ssyncadd.s32 $0xFFFFF300  }
0x17: {  	[tilespmem:s11], [sflag:$0x1] =	stream.linear.gather [hbm4b:s3+s1], $0x8000, $0x38;
	[tilespmem:$0x10D80] =	vst v63  }
0x18: {  	_ =	swait.ge [sflag:s12], $0x8000  }
0x19: {  	[sflag:s12] =	ssyncset.done $0x0  }
0x1a: {  	[sflag:s12] =	ssyncadd.s32 $0xFFFF8000  }
0x1b: {  	[tilespmem:s13], [sflag:$0x2] =	stream.linear.gather [hbm4b:s3+s1], $0x8000, $0x38;
	[tilespmem:$0x10D80] =	vst v63  }
0x1c: {  	_ =	swait.ge [sflag:s14], $0x8000  }
0x1d: {  	[sflag:s14] =	ssyncset.done $0x0  }
0x1e: {  	[sflag:s14] =	ssyncadd.s32 $0xFFFF8000  }
0x1f: {  	v8 =	vld.idx.msk [tilespmem:v0+s1+$0x0], $0xffff  }
0x20: {  	v9 =	vld.idx.msk [tilespmem:v1+s1+$0x0], $0xffff;
	_ =	sdelay $0x3  }
0x21: {  	v10 =	vshll.u32 v8, $0x3  }
0x22: {  	v8 =	vand.u32 $0x7F, v8;
	v11 =	vshll.u32 v9, $0x3;
	v10 =	vand.u32 $0xFFFFFC00, v10  }
0x23: {  	v9 =	vand.u32 $0x7F, v9;
	v60 =	vand.u32 $0xFFFFFC00, v11;
	v8 =	vor.u32 v8, v10  }
0x24: {  	v9 =	vor.u32 v9, v60;
	v8 =	vadd.s32 v2, v8  }
0x25: {  	v9 =	vadd.s32 v4, v9;
	_ =	sdelay $0x3  }
0x26: {  	[tilespmem:v8+s11+$0x0] =	vst.idx.msk $0xffff, v3  }
0x27: {  	[tilespmem:v9+s11+$0x0] =	vst.idx.msk $0x3ff, v3  }
0x28: {  	[hbm4b:s4+s1] =	stream.linear.scatter [tilespmem:s11], [sflag:$0x1], $0x8000, $0x38;
	[tilespmem:$0x10D80] =	vst v63  }
0x29: {  	v8 =	vld.idx.msk [tilespmem:v5+s1+$0x0], $0xffff  }
0x2a: {  	v9 =	vld.idx.msk [tilespmem:v6+s1+$0x0], $0xffff;
	_ =	sdelay $0x3  }
0x2b: {  	v61 =	vshll.u32 v8, $0x3  }
0x2c: {  	v8 =	vand.u32 $0x7F, v8;
	v62 =	vshll.u32 v9, $0x3;
	v10 =	vand.u32 $0xFFFFFC00, v61  }
0x2d: {  	v9 =	vand.u32 $0x7F, v9;
	v63 =	vand.u32 $0xFFFFFC00, v62;
	v8 =	vor.u32 v8, v10  }
0x2e: {  	v9 =	vor.u32 v9, v63;
	v8 =	vadd.s32 v2, v8  }
0x2f: {  	v9 =	vadd.s32 v4, v9;
	_ =	sdelay $0x3  }
0x30: {  	[tilespmem:v8+s13+$0x0] =	vst.idx.msk $0xffff, v3  }
0x31: {  	s16 =	smov.u32 s9;
	s17 =	smov.u32 s8;
	s18 =	simm.s32 $0x0;
	[tilespmem:v9+s13+$0x0] =	vst.idx.msk $0x3ff, v3  }
0x32: {  	[hbm4b:s6+s1] =	stream.linear.scatter [tilespmem:s13], [sflag:$0x2], $0x8000, $0x38;
	[tilespmem:$0x10D80] =	vst v63  }
.LBB2_2:
0x33: {  	v8 =	vadd.s32 s18, v0;
	s19 =	sadd.s32 $0x10, s18  }
0x34: {  	v9 =	vadd.s32 s19, v0  }
0x35: {  	_ =	swait.ge [sflag:s12], $0x8000  }
0x36: {  	[sflag:s12] =	ssyncset.done $0x0  }
0x37: {  	[sflag:s12] =	ssyncadd.s32 $0xFFFF8000  }
0x38: {  	v8 =	vld.idx.msk [tilespmem:v8+s1+$0x0], $0xffff  }
0x39: {  	v9 =	vld.idx.msk [tilespmem:v9+s1+$0x0], $0xffff;
	_ =	sdelay $0x3  }
0x3a: {  	v10 =	vshll.u32 v8, $0x3  }
0x3b: {  	v8 =	vand.u32 $0x7F, v8;
	v10 =	vand.u32 $0xFFFFFC00, v10;
	v11 =	vshll.u32 v9, $0x3  }
0x3c: {  	v9 =	vand.u32 $0x7F, v9;
	v8 =	vor.u32 v8, v10;
	v53 =	vand.u32 $0xFFFFFC00, v11  }
0x3d: {  	v8 =	vadd.s32 v2, v8;
	v9 =	vor.u32 v9, v53  }
0x3e: {  	s26 =	sadd.s32 $0x34, s18;
	v9 =	vadd.s32 v4, v9  }
0x3f: {  	s20 =	sadd.s32 $0x44, s18;
	v54 =	vadd.s32 s26, v0  }
0x40: {  	v55 =	vadd.s32 s20, v0;
	_ =	sdelay $0x1  }
0x41: {  	[tilespmem:v8+s11+$0x0] =	vst.idx.msk $0xffff, v7  }
0x42: {  	[tilespmem:v9+s11+$0x0] =	vst.idx.msk $0x3ff, v7  }
0x43: {  	v8 =	vld.idx.msk [tilespmem:v54+s1+$0x0], $0xffff  }
0x44: {  	v9 =	vld.idx.msk [tilespmem:v55+s1+$0x0], $0xffff;
	_ =	sdelay $0x3  }
0x45: {  	v10 =	vshll.u32 v8, $0x3  }
0x46: {  	v8 =	vand.u32 $0x7F, v8;
	v11 =	vshll.u32 v9, $0x3;
	v10 =	vand.u32 $0xFFFFFC00, v10  }
0x47: {  	v9 =	vand.u32 $0x7F, v9;
	v56 =	vand.u32 $0xFFFFFC00, v11;
	v8 =	vor.u32 v8, v10  }
0x48: {  	v9 =	vor.u32 v9, v56;
	v8 =	vadd.s32 v2, v8  }
0x49: {  	v9 =	vadd.s32 v4, v9;
	_ =	sdelay $0x3  }
0x4a: {  	s28 =	sadd.s32 $0x1A, s18;
	[tilespmem:v8+s11+$0x0] =	vst.idx.msk $0xffff, v3  }
0x4b: {  	s29 =	sadd.s32 $0x2A, s18;
	v8 =	vadd.s32 s28, v0;
	[tilespmem:v9+s11+$0x0] =	vst.idx.msk $0x3ff, v3  }
0x4c: {  	v57 =	vadd.s32 s29, v0;
	[hbm4b:s17+s1] =	stream.linear.scatter [tilespmem:s11], [sflag:$0x1], $0x8000, $0x38;
	[tilespmem:$0x10D80] =	vst v63  }
0x4d: {  	_ =	swait.ge [sflag:s14], $0x8000  }
0x4e: {  	[sflag:s14] =	ssyncset.done $0x0  }
0x4f: {  	[sflag:s14] =	ssyncadd.s32 $0xFFFF8000  }
0x50: {  	v8 =	vld.idx.msk [tilespmem:v8+s1+$0x0], $0xffff  }
0x51: {  	v9 =	vld.idx.msk [tilespmem:v57+s1+$0x0], $0xffff;
	_ =	sdelay $0x3  }
0x52: {  	v58 =	vshll.u32 v8, $0x3  }
0x53: {  	v8 =	vand.u32 $0x7F, v8;
	v59 =	vshll.u32 v9, $0x3;
	v10 =	vand.u32 $0xFFFFFC00, v58  }
0x54: {  	v9 =	vand.u32 $0x7F, v9;
	v60 =	vand.u32 $0xFFFFFC00, v59;
	v8 =	vor.u32 v8, v10  }
0x55: {  	v9 =	vor.u32 v9, v60;
	v8 =	vadd.s32 v2, v8  }
0x56: {  	s30 =	sadd.s32 $0x4E, s18;
	v9 =	vadd.s32 v4, v9  }
0x57: {  	s31 =	sadd.s32 $0x5E, s18;
	v61 =	vadd.s32 s30, v0  }
0x58: {  	v62 =	vadd.s32 s31, v0;
	_ =	sdelay $0x1  }
0x59: {  	[tilespmem:v8+s13+$0x0] =	vst.idx.msk $0xffff, v7  }
0x5a: {  	[tilespmem:v9+s13+$0x0] =	vst.idx.msk $0x3ff, v7  }
0x5b: {  	v8 =	vld.idx.msk [tilespmem:v61+s1+$0x0], $0xffff  }
0x5c: {  	v9 =	vld.idx.msk [tilespmem:v62+s1+$0x0], $0xffff;
	_ =	sdelay $0x3  }
0x5d: {  	v10 =	vshll.u32 v8, $0x3  }
0x5e: {  	v8 =	vand.u32 $0x7F, v8;
	v11 =	vshll.u32 v9, $0x3;
	v10 =	vand.u32 $0xFFFFFC00, v10  }
0x5f: {  	v9 =	vand.u32 $0x7F, v9;
	v63 =	vand.u32 $0xFFFFFC00, v11;
	v8 =	vor.u32 v8, v10  }
0x60: {  	v9 =	vor.u32 v9, v63;
	v8 =	vadd.s32 v2, v8  }
0x61: {  	v9 =	vadd.s32 v4, v9;
	_ =	sdelay $0x1  }
0x62: {  	p0 =	sne.s32 s18, $0xC98  }
.Ltmp0:
0x63: {  	_ = 	snop;
	(pc) =	sbr.rel @p0 .LBB2_2-.Ltmp0, $4  }
0x64: {  	[tilespmem:v8+s13+$0x0] =	vst.idx.msk $0xffff, v3  }
0x65: {  	[tilespmem:v9+s13+$0x0] =	vst.idx.msk $0x3ff, v3  }
0x66: {  	[hbm4b:s16+s1] =	stream.linear.scatter [tilespmem:s13], [sflag:$0x2], $0x8000, $0x38;
	[tilespmem:$0x10D80] =	vst v63  }
0x67: {  	s18 =	smov.u32 s26;
	s17 =	sadd.s32 $0x2000, s17;
	s16 =	sadd.s32 $0x2000, s16  }
0x68: {  	s15 =	sadd.s32 $0x1, s15  }
0x69: {  	_ =	swait.ge [sflag:s12], $0x8000;
	p0 =	sne.s32 s15, s7  }
.Ltmp1:
0x6a: {  	[sflag:s12] =	ssyncset.done $0x0;
	(pc) =	sbr.rel @p0 .LBB2_1-.Ltmp1, $4  }
0x6b: {  	[sflag:s12] =	ssyncadd.s32 $0xFFFF8000  }
0x6c: {  	_ =	swait.ge [sflag:s14], $0x8000  }
0x6d: {  	[sflag:s14] =	ssyncset.done $0x0  }
0x6e: {  	[sflag:s14] =	ssyncadd.s32 $0xFFFF8000  }
0x6f: {  	_ =	sfence.sel $0x180000  }
0x70: {  	[bflag:$0x0] =	sbarrier.arrive $0xFFFF  }
0x71: {  	p0 =	sne.s32 s2, $0x0;
	_ =	strace $0x90000047  }
0x72: {  	s0 =	sadd.s32 @!p0 $0x100000, s0;
	[bflag:$0x2] =	sbarrier.arrive $0xFFFF  }
0x73: {  	[sflag:s0] =	ssyncadd.tile.s32 @!p0 $0x1;
	_ =	shalt  }
.Lfunc_end2:
_tile_overlayer_lowered:
.L_overlay_start_2:
0x74: {  	(tag) =	ssettag $0x2  }
0x75: {  	s0 =	rddreg [dreg:$0x0];
	s2 =	stileid.u32  }
0x76: {  	s1 =	rddreg [dreg:$0x1];
	p0 =	sne.s32 s2, $0x0  }
0x77: {  	s3 =	rddreg [dreg:$0x2];
	[bflag:$0x3] =	sbarrier.arrive $0xFFFF;
	s2 =	simm.s32 @!p0 $0x1C03  }
0x78: {  	[timem:s3], [sflag:s2] =	dma.local @!p0 [hbm:s0], s1  }
0x79: {  	s0 =	simm.s32 @!p0 $0x3  }
0x7a: {  	_ =	swait.ge @!p0 [sflag:s0], s1  }
0x7b: {  	s1 =	ssub.s32 @!p0 $0x0, s1;
	[sflag:s0] =	ssyncset.done @!p0 $0x0  }
0x7c: {  	[sflag:s0] =	ssyncadd.s32 @!p0 s1  }
0x7d: {  	[bflag:$0x3] =	sbarrier.arrive $0xFFFF  }
0x7e: {  	_ =	shalt  }

</sc_bundles>
